<compile_context>
chip_gen: v7x
topology: tpu7x:2x2x1
jax: 0.10.2.dev20260603
libtpu: 0.0.44.dev20260713+nightly
codegen_flags: <defaults>
</compile_context>

<pallas_src>
import functools

import jax
import jax.numpy as jnp
from jax import lax
from jax.experimental import pallas as pl
from jax.experimental.pallas import tpu as pltpu
from jax.experimental.pallas import tpu_sc as plsc

EMBED_DIM = 64
FEAT_DIM = 64
BATCH = 16384
H1 = 32
H2 = 16

_SC_INFO = plsc.get_sparse_core_info()
_NC = _SC_INFO.num_cores
_NS = _SC_INFO.num_subcores
_NW = _NC * _NS
_B_PER_W = BATCH // _NW
_HALF = _B_PER_W // 2
_BLK = 8192
_PACK_ROWS = BATCH // 2
_ROWS_PER_BLK = _BLK // 2
_W_PER_BLK = _BLK // _B_PER_W

_sc_mesh = plsc.VectorSubcoreMesh(core_axis_name="c", subcore_axis_name="s")


@functools.partial(
    pl.kernel,
    mesh=_sc_mesh,
    out_type=jax.ShapeDtypeStruct((_PACK_ROWS, 2 * EMBED_DIM), jnp.float32),
    scratch_types=[
        pltpu.VMEM((_HALF,), jnp.int32),
        pltpu.VMEM((_HALF,), jnp.int32),
        pltpu.VMEM((_HALF, EMBED_DIM), jnp.float32),
        pltpu.VMEM((_HALF, EMBED_DIM), jnp.float32),
        pltpu.SemaphoreType.DMA,
        pltpu.SemaphoreType.DMA,
    ],
    compiler_params=pltpu.CompilerParams(use_tc_tiling_on_sc=False),
)
def _sc_gather(table_hbm, idx_hbm, out_hbm, idx_a, idx_b, rows_a, rows_b,
               sem_a, sem_b):
    wid = lax.axis_index("s") * _NC + lax.axis_index("c")
    blk = wid // _W_PER_BLK
    q = wid % _W_PER_BLK
    base_a = blk * _BLK + q * _HALF
    base_b = base_a + _BLK // 2
    row0 = blk * _ROWS_PER_BLK + q * _HALF
    pltpu.sync_copy(idx_hbm.at[pl.ds(base_a, _HALF)], idx_a)
    pltpu.sync_copy(idx_hbm.at[pl.ds(base_b, _HALF)], idx_b)
    cp_a = pltpu.async_copy(table_hbm.at[idx_a], rows_a, sem_a)
    cp_b = pltpu.async_copy(table_hbm.at[idx_b], rows_b, sem_b)
    cp_a.wait()
    pltpu.sync_copy(rows_a, out_hbm.at[pl.ds(row0, _HALF), pl.ds(0, EMBED_DIM)])
    cp_b.wait()
    pltpu.sync_copy(rows_b,
                    out_hbm.at[pl.ds(row0, _HALF), pl.ds(EMBED_DIM, EMBED_DIM)])


def _mlp_body(uft_ref, emb_ref, w1t_ref, b1_ref, w2t_ref, b2_ref,
              wctt_ref, wcbt_ref, bc_ref, out_ref):
    f32 = jnp.float32
    h = lax.dot_general(w1t_ref[...], uft_ref[...], (((1,), (0,)), ((), ())),
                        preferred_element_type=f32)
    h = jnp.maximum(h + b1_ref[...], 0.0)
    h = lax.dot_general(w2t_ref[...], h, (((1,), (0,)), ((), ())),
                        preferred_element_type=f32)
    h = jnp.maximum(h + b2_ref[...], 0.0)
    emb = emb_ref[...]
    y_lo = lax.dot_general(wctt_ref[...], emb[:, :EMBED_DIM],
                           (((1,), (1,)), ((), ())),
                           preferred_element_type=f32)
    y_hi = lax.dot_general(wctt_ref[...], emb[:, EMBED_DIM:],
                           (((1,), (1,)), ((), ())),
                           preferred_element_type=f32)
    y = jnp.concatenate([y_lo, y_hi], axis=1)
    y = y + lax.dot_general(wcbt_ref[...], h, (((1,), (0,)), ((), ())),
                            preferred_element_type=f32)
    out_ref[...] = jnp.maximum(y + bc_ref[...], 0.0)


def _mlp(uft, emb_p, W1T, b1c, W2T, b2c, WcTopT, WcBotT, bcc):
    grid = (BATCH // _BLK,)
    return pl.pallas_call(
        _mlp_body,
        grid=grid,
        in_specs=[
            pl.BlockSpec((FEAT_DIM, _BLK), lambda i: (0, i)),
            pl.BlockSpec((_ROWS_PER_BLK, 2 * EMBED_DIM), lambda i: (i, 0)),
            pl.BlockSpec((H1, FEAT_DIM), lambda i: (0, 0)),
            pl.BlockSpec((H1, 1), lambda i: (0, 0)),
            pl.BlockSpec((H2, H1), lambda i: (0, 0)),
            pl.BlockSpec((H2, 1), lambda i: (0, 0)),
            pl.BlockSpec((EMBED_DIM, EMBED_DIM), lambda i: (0, 0)),
            pl.BlockSpec((EMBED_DIM, H2), lambda i: (0, 0)),
            pl.BlockSpec((EMBED_DIM, 1), lambda i: (0, 0)),
        ],
        out_specs=pl.BlockSpec((EMBED_DIM, _BLK), lambda i: (0, i)),
        out_shape=jax.ShapeDtypeStruct((EMBED_DIM, BATCH), jnp.float32),
    )(uft, emb_p, W1T, b1c, W2T, b2c, WcTopT, WcBotT, bcc)


def kernel(user_id, user_features, table, W1, b1, W2, b2, Wc, bc):
    idx = user_id.astype(jnp.int32)
    emb_p = _sc_gather(table, idx)
    WcTopT = Wc[:EMBED_DIM].T
    WcBotT = Wc[EMBED_DIM:].T
    outT = _mlp(user_features.T, emb_p, W1.T, b1.reshape(H1, 1), W2.T,
                b2.reshape(H2, 1), WcTopT, WcBotT, bc.reshape(EMBED_DIM, 1))
    return outT.T

# --- scband reference (transcript-rebuilt; emitter-appended) ---
"""Pipeline reference for scband-user-model-19258633355899 (READ-ONLY COPY).

The authoritative reference and input builder live on the scoring server;
editing this copy changes nothing except your own understanding.
"""

import jax, jax.numpy as jnp
import numpy as np

VOCAB = 1000
EMBED_DIM = 64
FEAT_DIM = 64
BATCH = 16384


def setup_inputs(seed: int = 0) -> dict:
    key = jax.random.key(seed)
    k1, k2, k3, k4, k5, k6 = jax.random.split(key, 6)
    # StringLookup(vocabulary=unique_user_ids, mask_token=None) maps each user-id
    # string to an integer in [0, VOCAB] (0 = OOV). We model its output directly
    # as int indices since the string hashing itself is not a tensor op.
    user_id = jax.random.randint(k1, (BATCH,), 0, VOCAB + 1)
    user_features = jax.random.normal(k2, (BATCH, FEAT_DIM), dtype=jnp.float32)
    # Embedding(len(vocab)+1, embedding_dim)
    table = jax.random.normal(k3, (VOCAB + 1, EMBED_DIM), dtype=jnp.float32) * 0.05
    # user_features MLP: Dense(32, relu) -> Dropout(inference no-op) -> Dense(16, relu) -> Dropout
    W1 = jax.random.normal(k4, (FEAT_DIM, 32), dtype=jnp.float32) * 0.05
    b1 = jnp.zeros((32,), dtype=jnp.float32)
    W2 = jax.random.normal(k5, (32, 16), dtype=jnp.float32) * 0.05
    b2 = jnp.zeros((16,), dtype=jnp.float32)
    # combine: Dense(embedding_dim, relu) on concat([emb(64), feat(16)]) -> in dim 80
    Wc = jax.random.normal(k6, (EMBED_DIM + 16, EMBED_DIM), dtype=jnp.float32) * 0.05
    bc = jnp.zeros((EMBED_DIM,), dtype=jnp.float32)
    return {"user_id": user_id, "user_features": user_features, "table": table,
            "W1": W1, "b1": b1, "W2": W2, "b2": b2, "Wc": Wc, "bc": bc}


def reference(user_id, user_features, table, W1, b1, W2, b2, Wc, bc):
    # embedding lookup (gather)
    user_embedding = jnp.take(table, user_id, axis=0)
    # user_features tower (dropout is identity at inference)
    h = jax.nn.relu(user_features @ W1 + b1)
    h = jax.nn.relu(h @ W2 + b2)
    combined = jnp.concatenate([user_embedding, h], axis=-1)
    return jax.nn.relu(combined @ Wc + bc)

if __name__ == "__main__":
    import jax
    _d = setup_inputs()
    print(jax.jit(kernel)(*tuple(_d.values())))

</pallas_src>

<mosaic_0001>
#map = affine_map<(d0, d1) -> (0, 0)>
#map1 = affine_map<(d0, d1) -> (0)>
module attributes {stable_mosaic.version = 14 : i64} {
  func.func @_sc_gather(%arg0: i32, %arg1: i32, %arg2: memref<1001x64xf32, #tpu.memory_space<hbm>>, %arg3: memref<16384xi32, #tpu.memory_space<hbm>>, %arg4: memref<8192x128xf32, #tpu.memory_space<hbm>>, %arg5: memref<256xi32, #tpu.memory_space<vmem>>, %arg6: memref<256xi32, #tpu.memory_space<vmem>>, %arg7: memref<256x64xf32, #tpu.memory_space<vmem>>, %arg8: memref<256x64xf32, #tpu.memory_space<vmem>>, %arg9: memref<!tpu.dma_semaphore, #tpu.memory_space<semaphore_mem>>, %arg10: memref<!tpu.dma_semaphore, #tpu.memory_space<semaphore_mem>>) attributes {dimension_semantics = [#tpu.dimension_semantics<core_parallel>, #tpu.dimension_semantics<subcore_parallel>], iteration_bounds = array<i64: 2, 16>, scalar_prefetch = 0 : i64, scratch_operands = 6 : i64, tpu.core_type = #tpu.core_type<sc_vector_subcore>, window_params = [{transform_indices = #map}, {transform_indices = #map1}, {transform_indices = #map}]} {
    %mul3A = arith.constant 2 : i32
    %mul3A_0 = arith.muli %arg1, %mul3A : i32
    %add3A = arith.addi %mul3A_0, %arg0 : i32
    %jit3A = arith.constant 16 : i32
    %div3A = arith.divsi %add3A, %jit3A : i32
    %sign3A = arith.constant 0 : i32
    %sign3A_1 = arith.cmpi sgt, %add3A, %sign3A : i32
    %sign3A_2 = arith.extui %sign3A_1 : i1 to i32
    %sign3A_3 = arith.constant 0 : i32
    %sign3A_4 = arith.cmpi slt, %add3A, %sign3A_3 : i32
    %sign3A_5 = arith.extui %sign3A_4 : i1 to i32
    %sign3A_6 = arith.subi %sign3A_2, %sign3A_5 : i32
    %sign3A_7 = arith.constant 0 : i32
    %sign3A_8 = arith.cmpi sgt, %jit3A, %sign3A_7 : i32
    %sign3A_9 = arith.extui %sign3A_8 : i1 to i32
    %sign3A_10 = arith.constant 0 : i32
    %sign3A_11 = arith.cmpi slt, %jit3A, %sign3A_10 : i32
    %sign3A_12 = arith.extui %sign3A_11 : i1 to i32
    %sign3A_13 = arith.subi %sign3A_9, %sign3A_12 : i32
    %ne3A = arith.cmpi ne, %sign3A_6, %sign3A_13 : i32
    %rem3A = arith.remsi %add3A, %jit3A : i32
    %ne3A_14 = arith.constant 0 : i32
    %ne3A_15 = arith.cmpi ne, %rem3A, %ne3A_14 : i32
    %and3A = arith.andi %ne3A, %ne3A_15 : i1
    %sub3A = arith.constant 1 : i32
    %sub3A_16 = arith.subi %div3A, %sub3A : i32
    %select_n3A = arith.select %and3A, %sub3A_16, %div3A : i32
    %jit3A_17 = arith.constant 16 : i32
    %eq3A = arith.constant 0 : i32
    %eq3A_18 = arith.cmpi eq, %jit3A_17, %eq3A : i32
    %jit3A_19 = arith.constant 1 : i32
    %select_n3A_20 = arith.select %eq3A_18, %jit3A_19, %jit3A_17 : i32
    %rem3A_21 = arith.remsi %add3A, %select_n3A_20 : i32
    %ne3A_22 = arith.constant 0 : i32
    %ne3A_23 = arith.cmpi ne, %rem3A_21, %ne3A_22 : i32
    %lt3A = arith.constant 0 : i32
    %lt3A_24 = arith.cmpi slt, %rem3A_21, %lt3A : i32
    %lt3A_25 = arith.constant 0 : i32
    %lt3A_26 = arith.cmpi slt, %select_n3A_20, %lt3A_25 : i32
    %ne3A_27 = arith.xori %lt3A_24, %lt3A_26 : i1
    %and3A_28 = arith.andi %ne3A_27, %ne3A_23 : i1
    %add3A_29 = arith.addi %rem3A_21, %select_n3A_20 : i32
    %select_n3A_30 = arith.select %and3A_28, %add3A_29, %rem3A_21 : i32
    %mul3A_31 = arith.constant 8192 : i32
    %mul3A_32 = arith.muli %select_n3A, %mul3A_31 : i32
    %mul3A_33 = arith.constant 256 : i32
    %mul3A_34 = arith.muli %select_n3A_30, %mul3A_33 : i32
    %add3A_35 = arith.addi %mul3A_32, %mul3A_34 : i32
    %add3A_36 = arith.constant 4096 : i32
    %add3A_37 = arith.addi %add3A_35, %add3A_36 : i32
    %mul3A_38 = arith.constant 4096 : i32
    %mul3A_39 = arith.muli %select_n3A, %mul3A_38 : i32
    %mul3A_40 = arith.constant 256 : i32
    %mul3A_41 = arith.muli %select_n3A_30, %mul3A_40 : i32
    %add3A_42 = arith.addi %mul3A_39, %mul3A_41 : i32
    "tpu.region"() ({
      %run_scoped3A = tpu.sem_alloc : memref<!tpu.dma_semaphore, #tpu.memory_space<semaphore_mem>>
      %dma_start3A_53 = tpu.memref_slice %arg3[%add3A_35] : memref<16384xi32, #tpu.memory_space<hbm>> -> memref<256xi32, #tpu.memory_space<hbm>>
      %dma_start3A_54 = tpu.memref_slice %arg3[%add3A_35] : memref<16384xi32, #tpu.memory_space<hbm>> -> memref<256xi32, #tpu.memory_space<hbm>>
      tpu.enqueue_dma source(%dma_start3A_54 : memref<256xi32, #tpu.memory_space<hbm>>) target(%arg5 : memref<256xi32, #tpu.memory_space<vmem>>) target_semaphore(%run_scoped3A : memref<!tpu.dma_semaphore, #tpu.memory_space<semaphore_mem>>)
      %dma_wait3A_55 = tpu.memref_slice %arg3[%add3A_35] : memref<16384xi32, #tpu.memory_space<hbm>> -> memref<256xi32, #tpu.memory_space<hbm>>
      %dma_wait3A_56 = tpu.memref_slice %arg3[%add3A_35] : memref<16384xi32, #tpu.memory_space<hbm>> -> memref<256xi32, #tpu.memory_space<hbm>>
      tpu.wait_dma2 semaphore(%run_scoped3A : memref<!tpu.dma_semaphore, #tpu.memory_space<semaphore_mem>>) src(%dma_wait3A_56 : memref<256xi32, #tpu.memory_space<hbm>>) dst(%arg5 : memref<256xi32, #tpu.memory_space<vmem>>)
      tpu.yield
    }) : () -> ()
    "tpu.region"() ({
      %run_scoped3A = tpu.sem_alloc : memref<!tpu.dma_semaphore, #tpu.memory_space<semaphore_mem>>
      %dma_start3A_53 = tpu.memref_slice %arg3[%add3A_37] : memref<16384xi32, #tpu.memory_space<hbm>> -> memref<256xi32, #tpu.memory_space<hbm>>
      %dma_start3A_54 = tpu.memref_slice %arg3[%add3A_37] : memref<16384xi32, #tpu.memory_space<hbm>> -> memref<256xi32, #tpu.memory_space<hbm>>
      tpu.enqueue_dma source(%dma_start3A_54 : memref<256xi32, #tpu.memory_space<hbm>>) target(%arg6 : memref<256xi32, #tpu.memory_space<vmem>>) target_semaphore(%run_scoped3A : memref<!tpu.dma_semaphore, #tpu.memory_space<semaphore_mem>>)
      %dma_wait3A_55 = tpu.memref_slice %arg3[%add3A_37] : memref<16384xi32, #tpu.memory_space<hbm>> -> memref<256xi32, #tpu.memory_space<hbm>>
      %dma_wait3A_56 = tpu.memref_slice %arg3[%add3A_37] : memref<16384xi32, #tpu.memory_space<hbm>> -> memref<256xi32, #tpu.memory_space<hbm>>
      tpu.wait_dma2 semaphore(%run_scoped3A : memref<!tpu.dma_semaphore, #tpu.memory_space<semaphore_mem>>) src(%dma_wait3A_56 : memref<256xi32, #tpu.memory_space<hbm>>) dst(%arg6 : memref<256xi32, #tpu.memory_space<vmem>>)
      tpu.yield
    }) : () -> ()
    %dma_start3A = arith.constant 0 : i32
    %dma_start3A_43 = arith.constant 0 : i32
    %dma_start3A_44 = tpu.memref_slice %arg2[%dma_start3A, %dma_start3A_43] : memref<1001x64xf32, #tpu.memory_space<hbm>> -> memref<1001x64xf32, #tpu.memory_space<hbm>>
    tpu.enqueue_indirect_dma source(%dma_start3A_44 : memref<1001x64xf32, #tpu.memory_space<hbm>>) target(%arg7 : memref<256x64xf32, #tpu.memory_space<vmem>>) offsets(%arg5 : memref<256xi32, #tpu.memory_space<vmem>>) semaphore(%arg9 : memref<!tpu.dma_semaphore, #tpu.memory_space<semaphore_mem>>)
    %dma_start3A_45 = arith.constant 0 : i32
    %dma_start3A_46 = arith.constant 0 : i32
    %dma_start3A_47 = tpu.memref_slice %arg2[%dma_start3A_45, %dma_start3A_46] : memref<1001x64xf32, #tpu.memory_space<hbm>> -> memref<1001x64xf32, #tpu.memory_space<hbm>>
    tpu.enqueue_indirect_dma source(%dma_start3A_47 : memref<1001x64xf32, #tpu.memory_space<hbm>>) target(%arg8 : memref<256x64xf32, #tpu.memory_space<vmem>>) offsets(%arg6 : memref<256xi32, #tpu.memory_space<vmem>>) semaphore(%arg10 : memref<!tpu.dma_semaphore, #tpu.memory_space<semaphore_mem>>)
    %dma_wait3A = arith.constant 0 : i32
    %dma_wait3A_48 = arith.constant 0 : i32
    %dma_wait3A_49 = tpu.memref_slice %arg2[%dma_wait3A, %dma_wait3A_48] : memref<1001x64xf32, #tpu.memory_space<hbm>> -> memref<1001x64xf32, #tpu.memory_space<hbm>>
    tpu.wait_indirect_dma semaphore(%arg9 : memref<!tpu.dma_semaphore, #tpu.memory_space<semaphore_mem>>) src(%dma_wait3A_49 : memref<1001x64xf32, #tpu.memory_space<hbm>>) dst(%arg7 : memref<256x64xf32, #tpu.memory_space<vmem>>)
    "tpu.region"() ({
      %run_scoped3A = tpu.sem_alloc : memref<!tpu.dma_semaphore, #tpu.memory_space<semaphore_mem>>
      %dma_start3A_53 = arith.constant 0 : i32
      %dma_start3A_54 = tpu.memref_slice %arg4[%add3A_42, %dma_start3A_53] : memref<8192x128xf32, #tpu.memory_space<hbm>> -> memref<256x64xf32, #tpu.memory_space<hbm>>
      %dma_start3A_55 = arith.constant 0 : i32
      %dma_start3A_56 = tpu.memref_slice %arg4[%add3A_42, %dma_start3A_55] : memref<8192x128xf32, #tpu.memory_space<hbm>> -> memref<256x64xf32, #tpu.memory_space<hbm>>
      tpu.enqueue_dma source(%arg7 : memref<256x64xf32, #tpu.memory_space<vmem>>) target(%dma_start3A_56 : memref<256x64xf32, #tpu.memory_space<hbm>>) target_semaphore(%run_scoped3A : memref<!tpu.dma_semaphore, #tpu.memory_space<semaphore_mem>>)
      %dma_wait3A_57 = arith.constant 0 : i32
      %dma_wait3A_58 = tpu.memref_slice %arg4[%add3A_42, %dma_wait3A_57] : memref<8192x128xf32, #tpu.memory_space<hbm>> -> memref<256x64xf32, #tpu.memory_space<hbm>>
      %dma_wait3A_59 = arith.constant 0 : i32
      %dma_wait3A_60 = tpu.memref_slice %arg4[%add3A_42, %dma_wait3A_59] : memref<8192x128xf32, #tpu.memory_space<hbm>> -> memref<256x64xf32, #tpu.memory_space<hbm>>
      tpu.wait_dma2 semaphore(%run_scoped3A : memref<!tpu.dma_semaphore, #tpu.memory_space<semaphore_mem>>) src(%arg7 : memref<256x64xf32, #tpu.memory_space<vmem>>) dst(%dma_wait3A_60 : memref<256x64xf32, #tpu.memory_space<hbm>>)
      tpu.yield
    }) : () -> ()
    %dma_wait3A_50 = arith.constant 0 : i32
    %dma_wait3A_51 = arith.constant 0 : i32
    %dma_wait3A_52 = tpu.memref_slice %arg2[%dma_wait3A_50, %dma_wait3A_51] : memref<1001x64xf32, #tpu.memory_space<hbm>> -> memref<1001x64xf32, #tpu.memory_space<hbm>>
    tpu.wait_indirect_dma semaphore(%arg10 : memref<!tpu.dma_semaphore, #tpu.memory_space<semaphore_mem>>) src(%dma_wait3A_52 : memref<1001x64xf32, #tpu.memory_space<hbm>>) dst(%arg8 : memref<256x64xf32, #tpu.memory_space<vmem>>)
    "tpu.region"() ({
      %run_scoped3A = tpu.sem_alloc : memref<!tpu.dma_semaphore, #tpu.memory_space<semaphore_mem>>
      %dma_start3A_53 = arith.constant 64 : i32
      %dma_start3A_54 = tpu.memref_slice %arg4[%add3A_42, %dma_start3A_53] : memref<8192x128xf32, #tpu.memory_space<hbm>> -> memref<256x64xf32, #tpu.memory_space<hbm>>
      %dma_start3A_55 = arith.constant 64 : i32
      %dma_start3A_56 = tpu.memref_slice %arg4[%add3A_42, %dma_start3A_55] : memref<8192x128xf32, #tpu.memory_space<hbm>> -> memref<256x64xf32, #tpu.memory_space<hbm>>
      tpu.enqueue_dma source(%arg8 : memref<256x64xf32, #tpu.memory_space<vmem>>) target(%dma_start3A_56 : memref<256x64xf32, #tpu.memory_space<hbm>>) target_semaphore(%run_scoped3A : memref<!tpu.dma_semaphore, #tpu.memory_space<semaphore_mem>>)
      %dma_wait3A_57 = arith.constant 64 : i32
      %dma_wait3A_58 = tpu.memref_slice %arg4[%add3A_42, %dma_wait3A_57] : memref<8192x128xf32, #tpu.memory_space<hbm>> -> memref<256x64xf32, #tpu.memory_space<hbm>>
      %dma_wait3A_59 = arith.constant 64 : i32
      %dma_wait3A_60 = tpu.memref_slice %arg4[%add3A_42, %dma_wait3A_59] : memref<8192x128xf32, #tpu.memory_space<hbm>> -> memref<256x64xf32, #tpu.memory_space<hbm>>
      tpu.wait_dma2 semaphore(%run_scoped3A : memref<!tpu.dma_semaphore, #tpu.memory_space<semaphore_mem>>) src(%arg8 : memref<256x64xf32, #tpu.memory_space<vmem>>) dst(%dma_wait3A_60 : memref<256x64xf32, #tpu.memory_space<hbm>>)
      tpu.yield
    }) : () -> ()
    return
  }
}

module attributes {stable_mosaic.version = 14 : i64} {
  func.func @_mlp_body(%arg0: i32, %arg1: memref<64x8192xf32, #tpu.memory_space<vmem>>, %arg2: memref<4096x128xf32, #tpu.memory_space<vmem>>, %arg3: memref<32x64xf32, #tpu.memory_space<vmem>>, %arg4: memref<32x1xf32, #tpu.memory_space<vmem>>, %arg5: memref<16x32xf32, #tpu.memory_space<vmem>>, %arg6: memref<16x1xf32, #tpu.memory_space<vmem>>, %arg7: memref<64x64xf32, #tpu.memory_space<vmem>>, %arg8: memref<64x16xf32, #tpu.memory_space<vmem>>, %arg9: memref<64x1xf32, #tpu.memory_space<vmem>>, %arg10: memref<64x8192xf32, #tpu.memory_space<vmem>>) attributes {dimension_semantics = [#tpu.dimension_semantics<arbitrary>], iteration_bounds = array<i64: 2>, scalar_prefetch = 0 : i64, scratch_operands = 0 : i64, tpu.core_type = #tpu.core_type<tc>, window_params = [{transform_indices = @transform_0, window_bounds = array<i64: 64, 8192>}, {transform_indices = @transform_1, window_bounds = array<i64: 4096, 128>}, {pipeline_mode = #tpu.pipeline_mode<synchronous>, transform_indices = @transform_2, window_bounds = array<i64: 32, 64>}, {pipeline_mode = #tpu.pipeline_mode<synchronous>, transform_indices = @transform_3, window_bounds = array<i64: 32, 1>}, {pipeline_mode = #tpu.pipeline_mode<synchronous>, transform_indices = @transform_4, window_bounds = array<i64: 16, 32>}, {pipeline_mode = #tpu.pipeline_mode<synchronous>, transform_indices = @transform_5, window_bounds = array<i64: 16, 1>}, {pipeline_mode = #tpu.pipeline_mode<synchronous>, transform_indices = @transform_6, window_bounds = array<i64: 64, 64>}, {pipeline_mode = #tpu.pipeline_mode<synchronous>, transform_indices = @transform_7, window_bounds = array<i64: 64, 16>}, {pipeline_mode = #tpu.pipeline_mode<synchronous>, transform_indices = @transform_8, window_bounds = array<i64: 64, 1>}, {transform_indices = @transform_9, window_bounds = array<i64: 64, 8192>}]} {
    %get3A = arith.constant 0 : index
    %get3A_0 = arith.constant 0 : index
    %get3A_1 = vector.load %arg3[%get3A, %get3A_0] : memref<32x64xf32, #tpu.memory_space<vmem>>, vector<32x64xf32>
    %get3A_2 = arith.constant 0 : index
    %get3A_3 = arith.constant 0 : index
    %get3A_4 = vector.load %arg1[%get3A_2, %get3A_3] : memref<64x8192xf32, #tpu.memory_space<vmem>>, vector<64x8192xf32>
    %dot_general3A = arith.constant dense<0.000000e+00> : vector<32x8192xf32>
    %dot_general3A_5 = tpu.matmul %get3A_1, %get3A_4, %dot_general3A {dimension_numbers = #tpu.dot_dimension_numbers<[1], [0], [0], [1], [0, 0, 1, 1], [], []>, transpose_lhs_hint = false} : vector<32x64xf32>, vector<64x8192xf32>, vector<32x8192xf32> -> vector<32x8192xf32>
    %get3A_6 = arith.constant 0 : index
    %get3A_7 = arith.constant 0 : index
    %get3A_8 = vector.load %arg4[%get3A_6, %get3A_7] : memref<32x1xf32, #tpu.memory_space<vmem>>, vector<32x1xf32>
    %add3A = vector.broadcast %get3A_8 : vector<32x1xf32> to vector<32x8192xf32>
    %add3A_9 = arith.addf %dot_general3A_5, %add3A : vector<32x8192xf32>
    %max3A = arith.constant 0.000000e+00 : f32
    %max3A_10 = vector.broadcast %max3A : f32 to vector<32x8192xf32>
    %max3A_11 = arith.maximumf %add3A_9, %max3A_10 : vector<32x8192xf32>
    %get3A_12 = arith.constant 0 : index
    %get3A_13 = arith.constant 0 : index
    %get3A_14 = vector.load %arg5[%get3A_12, %get3A_13] : memref<16x32xf32, #tpu.memory_space<vmem>>, vector<16x32xf32>
    %dot_general3A_15 = arith.constant dense<0.000000e+00> : vector<16x8192xf32>
    %dot_general3A_16 = tpu.matmul %get3A_14, %max3A_11, %dot_general3A_15 {dimension_numbers = #tpu.dot_dimension_numbers<[1], [0], [0], [1], [0, 0, 1, 1], [], []>, transpose_lhs_hint = false} : vector<16x32xf32>, vector<32x8192xf32>, vector<16x8192xf32> -> vector<16x8192xf32>
    %get3A_17 = arith.constant 0 : index
    %get3A_18 = arith.constant 0 : index
    %get3A_19 = vector.load %arg6[%get3A_17, %get3A_18] : memref<16x1xf32, #tpu.memory_space<vmem>>, vector<16x1xf32>
    %add3A_20 = vector.broadcast %get3A_19 : vector<16x1xf32> to vector<16x8192xf32>
    %add3A_21 = arith.addf %dot_general3A_16, %add3A_20 : vector<16x8192xf32>
    %max3A_22 = arith.constant 0.000000e+00 : f32
    %max3A_23 = vector.broadcast %max3A_22 : f32 to vector<16x8192xf32>
    %max3A_24 = arith.maximumf %add3A_21, %max3A_23 : vector<16x8192xf32>
    %get3A_25 = arith.constant 0 : index
    %get3A_26 = arith.constant 0 : index
    %get3A_27 = vector.load %arg2[%get3A_25, %get3A_26] : memref<4096x128xf32, #tpu.memory_space<vmem>>, vector<4096x128xf32>
    %get3A_28 = arith.constant 0 : index
    %get3A_29 = arith.constant 0 : index
    %get3A_30 = vector.load %arg7[%get3A_28, %get3A_29] : memref<64x64xf32, #tpu.memory_space<vmem>>, vector<64x64xf32>
    %slice3A = vector.extract_strided_slice %get3A_27 {offsets = [0, 0], sizes = [4096, 64], strides = [1, 1]} : vector<4096x128xf32> to vector<4096x64xf32>
    %dot_general3A_31 = arith.constant dense<0.000000e+00> : vector<64x4096xf32>
    %dot_general3A_32 = tpu.matmul %get3A_30, %slice3A, %dot_general3A_31 {dimension_numbers = #tpu.dot_dimension_numbers<[1], [1], [0], [0], [0, 0, 1, 0], [], []>, transpose_lhs_hint = false} : vector<64x64xf32>, vector<4096x64xf32>, vector<64x4096xf32> -> vector<64x4096xf32>
    %get3A_33 = arith.constant 0 : index
    %get3A_34 = arith.constant 0 : index
    %get3A_35 = vector.load %arg7[%get3A_33, %get3A_34] : memref<64x64xf32, #tpu.memory_space<vmem>>, vector<64x64xf32>
    %slice3A_36 = vector.extract_strided_slice %get3A_27 {offsets = [0, 64], sizes = [4096, 64], strides = [1, 1]} : vector<4096x128xf32> to vector<4096x64xf32>
    %dot_general3A_37 = arith.constant dense<0.000000e+00> : vector<64x4096xf32>
    %dot_general3A_38 = tpu.matmul %get3A_35, %slice3A_36, %dot_general3A_37 {dimension_numbers = #tpu.dot_dimension_numbers<[1], [1], [0], [0], [0, 0, 1, 0], [], []>, transpose_lhs_hint = false} : vector<64x64xf32>, vector<4096x64xf32>, vector<64x4096xf32> -> vector<64x4096xf32>
    %concatenate3A = tpu.concatenate %dot_general3A_32, %dot_general3A_38 in 1 : vector<64x4096xf32>, vector<64x4096xf32> -> vector<64x8192xf32>
    %get3A_39 = arith.constant 0 : index
    %get3A_40 = arith.constant 0 : index
    %get3A_41 = vector.load %arg8[%get3A_39, %get3A_40] : memref<64x16xf32, #tpu.memory_space<vmem>>, vector<64x16xf32>
    %dot_general3A_42 = arith.constant dense<0.000000e+00> : vector<64x8192xf32>
    %dot_general3A_43 = tpu.matmul %get3A_41, %max3A_24, %dot_general3A_42 {dimension_numbers = #tpu.dot_dimension_numbers<[1], [0], [0], [1], [0, 0, 1, 1], [], []>, transpose_lhs_hint = false} : vector<64x16xf32>, vector<16x8192xf32>, vector<64x8192xf32> -> vector<64x8192xf32>
    %add3A_44 = arith.addf %concatenate3A, %dot_general3A_43 : vector<64x8192xf32>
    %get3A_45 = arith.constant 0 : index
    %get3A_46 = arith.constant 0 : index
    %get3A_47 = vector.load %arg9[%get3A_45, %get3A_46] : memref<64x1xf32, #tpu.memory_space<vmem>>, vector<64x1xf32>
    %add3A_48 = vector.broadcast %get3A_47 : vector<64x1xf32> to vector<64x8192xf32>
    %add3A_49 = arith.addf %add3A_44, %add3A_48 : vector<64x8192xf32>
    %max3A_50 = arith.constant 0.000000e+00 : f32
    %max3A_51 = vector.broadcast %max3A_50 : f32 to vector<64x8192xf32>
    %max3A_52 = arith.maximumf %add3A_49, %max3A_51 : vector<64x8192xf32>
    %swap3A = arith.constant 0 : index
    %swap3A_53 = arith.constant 0 : index
    %swap3A_54 = vector.load %arg10[%swap3A, %swap3A_53] : memref<64x8192xf32, #tpu.memory_space<vmem>>, vector<64x8192xf32>
    tpu.vector_store %arg10[%swap3A, %swap3A_53], %max3A_52 {strides = array<i32>} : memref<64x8192xf32, #tpu.memory_space<vmem>>, vector<64x8192xf32>,
    return
  }
  func.func @transform_0(%arg0: i32) -> (i32, i32) {
    %c0_i32 = arith.constant 0 : i32
    %c0_i32_0 = arith.constant 0 : i32
    return %c0_i32, %arg0 : i32, i32
  }
  func.func @transform_1(%arg0: i32) -> (i32, i32) {
    %c0_i32 = arith.constant 0 : i32
    %c0_i32_0 = arith.constant 0 : i32
    return %arg0, %c0_i32 : i32, i32
  }
  func.func @transform_2(%arg0: i32) -> (i32, i32) {
    %c0_i32 = arith.constant 0 : i32
    %c0_i32_0 = arith.constant 0 : i32
    %c0_i32_1 = arith.constant 0 : i32
    return %c0_i32, %c0_i32_0 : i32, i32
  }
  func.func @transform_3(%arg0: i32) -> (i32, i32) {
    %c0_i32 = arith.constant 0 : i32
    %c0_i32_0 = arith.constant 0 : i32
    %c0_i32_1 = arith.constant 0 : i32
    return %c0_i32, %c0_i32_0 : i32, i32
  }
  func.func @transform_4(%arg0: i32) -> (i32, i32) {
    %c0_i32 = arith.constant 0 : i32
    %c0_i32_0 = arith.constant 0 : i32
    %c0_i32_1 = arith.constant 0 : i32
    return %c0_i32, %c0_i32_0 : i32, i32
  }
  func.func @transform_5(%arg0: i32) -> (i32, i32) {
    %c0_i32 = arith.constant 0 : i32
    %c0_i32_0 = arith.constant 0 : i32
    %c0_i32_1 = arith.constant 0 : i32
    return %c0_i32, %c0_i32_0 : i32, i32
  }
  func.func @transform_6(%arg0: i32) -> (i32, i32) {
    %c0_i32 = arith.constant 0 : i32
    %c0_i32_0 = arith.constant 0 : i32
    %c0_i32_1 = arith.constant 0 : i32
    return %c0_i32, %c0_i32_0 : i32, i32
  }
  func.func @transform_7(%arg0: i32) -> (i32, i32) {
    %c0_i32 = arith.constant 0 : i32
    %c0_i32_0 = arith.constant 0 : i32
    %c0_i32_1 = arith.constant 0 : i32
    return %c0_i32, %c0_i32_0 : i32, i32
  }
  func.func @transform_8(%arg0: i32) -> (i32, i32) {
    %c0_i32 = arith.constant 0 : i32
    %c0_i32_0 = arith.constant 0 : i32
    %c0_i32_1 = arith.constant 0 : i32
    return %c0_i32, %c0_i32_0 : i32, i32
  }
  func.func @transform_9(%arg0: i32) -> (i32, i32) {
    %c0_i32 = arith.constant 0 : i32
    %c0_i32_0 = arith.constant 0 : i32
    return %c0_i32, %arg0 : i32, i32
  }
}

</mosaic_0001>

<sc_bundles>
// kernel: kernel.4.cloned.1.call-start
scs
__scs_entry_jumppad:
0x0: {  	(pc) =	sbr.rel $0x88, $3  }
0x1: {  	(tag) =	ssettag $0x0;
	lr =	simm.s32 $0x1  }
0x2: {  	[smem:$0x3F98] =	sst lr;
	_ =	strace $0xD0000000  }
0x3: {  	_ = 	snop  }
0x4: {  	_ = 	snop  }
0x5: {  	_ = 	snop  }
0x6: {  	_ = 	snop  }
0x7: {  	_ = 	snop  }
__scs_overlays_trampoline_lowered:
0x8: {  	[smem:$0x3FA7] =	sst s0  }
0x9: {  	[smem:$0x3FA8] =	sst s1  }
0xa: {  	[smem:$0x3FA9] =	sst s2  }
0xb: {  	[smem:$0x3FAA] =	sst s3  }
0xc: {  	[smem:$0x3FAB] =	sst s4  }
0xd: {  	[smem:$0x3FAC] =	sst s5  }
0xe: {  	[smem:$0x3FAD] =	sst s6  }
0xf: {  	[smem:$0x3FAE] =	sst s7  }
0x10: {  	[smem:$0x3FAF] =	sst s8  }
0x11: {  	[smem:$0x3FB0] =	sst s9;
	s0 =	simm.s32 @!p0 $0x0  }
0x12: {  	s1 =	sld [smem:$0x3F96];
	s0 =	simm.s32 @p0 $0x1  }
0x13: {  	[smem:$0x3FB1] =	sst s0;
	s0 =	simm.s32 @!p1 $0x0  }
0x14: {  	s2 =	sld [smem:$0x3F95];
	s0 =	simm.s32 @p1 $0x1  }
0x15: {  	[smem:$0x3FB2] =	sst s0;
	s0 =	simm.s32 @!p2 $0x0  }
0x16: {  	s3 =	sld [smem:$0x3FDB];
	s0 =	simm.s32 @p2 $0x1  }
0x17: {  	s4 =	simm.s32 $0x1BF5;
	[smem:$0x3FB4] =	sst s0  }
0x18: {  	s0 =	sld [smem:$0x3F97];
	_ =	swait.ge [sflag:s4], $0x0  }
0x19: {  	s7 =	sld [smem:$0x3F98]  }
0x1a: {  	s8 =	sadd.s32 $0xFFFFE003, lr  }
0x1b: {  	s9 =	sadd.s32 $0xFFFFFEF7, lr;
	s5 =	simm.s32 $0xFFFFFFFF;
	p2 =	slt.u32 s8, $0xFFFFF086  }
0x1c: {  	p1 =	slt.u32 s9, $0xF7A;
	s5 =	simm.s32 @!p2 $0x0  }
0x1d: {  	s5 =	simm.s32 @p1 $0x1;
	p0 =	seq.s32 s7, s2  }
0x1e: {  	s7 =	smul.u32 @!p0 $0xF7A, s2;
	p2 =	seq.s32 @!p0 s5, $0x0  }
0x1f: {  	s9 =	smul.u32 $0xF7A, s1;
	s8 =	simm.s32 @!p0 $0x1BF5;
	p2 =	por !p2, p0  }
0x20: {  	[sflag:s8] =	ssyncset.s32 @!p0 $0xFFFFF086;
	s6 =	sadd.s32 @!p0 s3, s7;
	s7 =	simm.s32 @!p0 $0x108  }
0x21: {  	s3 =	sadd.s32 s3, s9;
	s6 =	sadd.s32 @!p0 $0x88, s6;
	s7 =	simm.s32 @p2 $0x1082  }
0x22: {  	[simem:s7], [sflag:s8] =	dma.local @!p0 [hbm:s6], $0xF7A  }
0x23: {  	s9 =	sor.u32 $0xD0000000, s2;
	s6 =	simm.s32 $0x108;
	_ =	swait.ge @!p0 [sflag:s8], $0x0  }
0x24: {  	s3 =	sadd.s32 $0x88, s3;
	s6 =	simm.s32 @!p1 $0x1082;
	[sflag:s4] =	ssyncset.s32 $0xFFFFF086  }
0x25: {  	[simem:s6], [sflag:s4] =	dma.local [hbm:s3], $0xF7A  }
0x26: {  	[smem:$0x3F98] =	sst s1;
	(tag) =	ssettag s2;
	_ =	strace s9  }
0x27: {  	s1 =	sld [smem:$0x3FA8]  }
0x28: {  	s2 =	sld [smem:$0x3FA9]  }
0x29: {  	s4 =	sld [smem:$0x3FAB]  }
0x2a: {  	p0 =	seq.s32 s5, $0x0;
	s5 =	sld [smem:$0x3FAC]  }
0x2b: {  	s6 =	sld [smem:$0x3FAD]  }
0x2c: {  	s7 =	sld [smem:$0x3FAE]  }
0x2d: {  	s3 =	simm.s32 $0x108;
	s8 =	sld [smem:$0x3FAF]  }
0x2e: {  	s3 =	simm.s32 @!p0 $0x1082;
	s9 =	sld [smem:$0x3FB0]  }
0x2f: {  	lr =	sadd.s32 s0, s3;
	s0 =	sld [smem:$0x3FA7]  }
0x30: {  	s3 =	sld [smem:$0x3FAA]  }
0x31: {  	[smem:$0x3FB3] =	sst s10  }
0x32: {  	s10 =	sld [smem:$0x3FB1];
	_ =	sdelay $0x3  }
0x33: {  	p0 =	seq.s32 s10, $0x1;
	s10 =	sld [smem:$0x3FB3];
	_ =	sdelay $0x3  }
0x34: {  	[smem:$0x3FB3] =	sst s10  }
0x35: {  	s10 =	sld [smem:$0x3FB2];
	_ =	sdelay $0x3  }
0x36: {  	p1 =	seq.s32 s10, $0x1;
	s10 =	sld [smem:$0x3FB3];
	_ =	sdelay $0x3  }
0x37: {  	[smem:$0x3FB3] =	sst s10  }
0x38: {  	s10 =	sld [smem:$0x3FB4]  }
0x39: {  	_ = 	snop;
	(pc) =	sbr.ind lr, $3  }
0x3a: {  	_ = 	snop  }
0x3b: {  	_ = 	snop  }
0x3c: {  	p2 =	seq.s32 s10, $0x1;
	s10 =	sld [smem:$0x3FB3]  }
0x3d: {  	_ =	shalt  }
0x3e: {  	_ =	shalt  }
0x3f: {  	_ =	shalt  }
0x40: {  	_ =	shalt  }
0x41: {  	_ =	shalt  }
0x42: {  	_ =	shalt  }
0x43: {  	_ =	shalt  }
0x44: {  	_ =	shalt  }
0x45: {  	_ =	shalt  }
0x46: {  	_ =	shalt  }
0x47: {  	_ =	shalt  }
0x48: {  	_ =	shalt  }
0x49: {  	_ =	shalt  }
0x4a: {  	_ =	shalt  }
0x4b: {  	_ =	shalt  }
0x4c: {  	_ =	shalt  }
0x4d: {  	_ =	shalt  }
0x4e: {  	_ =	shalt  }
0x4f: {  	_ =	shalt  }
0x50: {  	_ =	shalt  }
0x51: {  	_ =	shalt  }
0x52: {  	_ =	shalt  }
0x53: {  	_ =	shalt  }
0x54: {  	_ =	shalt  }
0x55: {  	_ =	shalt  }
0x56: {  	_ =	shalt  }
0x57: {  	_ =	shalt  }
0x58: {  	_ =	shalt  }
0x59: {  	_ =	shalt  }
0x5a: {  	_ =	shalt  }
0x5b: {  	_ =	shalt  }
0x5c: {  	_ =	shalt  }
0x5d: {  	_ =	shalt  }
0x5e: {  	_ =	shalt  }
0x5f: {  	_ =	shalt  }
0x60: {  	_ =	shalt  }
0x61: {  	_ =	shalt  }
0x62: {  	_ =	shalt  }
0x63: {  	_ =	shalt  }
0x64: {  	_ =	shalt  }
0x65: {  	_ =	shalt  }
0x66: {  	_ =	shalt  }
0x67: {  	_ =	shalt  }
0x68: {  	_ =	shalt  }
0x69: {  	_ =	shalt  }
0x6a: {  	_ =	shalt  }
0x6b: {  	_ =	shalt  }
0x6c: {  	_ =	shalt  }
0x6d: {  	_ =	shalt  }
0x6e: {  	_ =	shalt  }
0x6f: {  	_ =	shalt  }
0x70: {  	_ =	shalt  }
0x71: {  	_ =	shalt  }
0x72: {  	_ =	shalt  }
0x73: {  	_ =	shalt  }
0x74: {  	_ =	shalt  }
0x75: {  	_ =	shalt  }
0x76: {  	_ =	shalt  }
0x77: {  	_ =	shalt  }
0x78: {  	_ =	shalt  }
0x79: {  	_ =	shalt  }
0x7a: {  	_ =	shalt  }
0x7b: {  	_ =	shalt  }
0x7c: {  	_ =	shalt  }
0x7d: {  	_ =	shalt  }
0x7e: {  	_ =	shalt  }
0x7f: {  	_ =	shalt  }
0x80: {  	_ =	shalt  }
0x81: {  	_ =	shalt  }
0x82: {  	_ =	shalt  }
0x83: {  	_ =	shalt  }
0x84: {  	_ =	shalt  }
0x85: {  	_ =	shalt  }
0x86: {  	_ =	shalt  }
0x87: {  	_ =	shalt  }
.Lfunc_end0:
.L_simem_size_0:
called_computation_lowered:
.L_overlay_start_0:
0x88: {  	s2 =	sld [smem:$0x3FD9]  }
0x89: {  	s3 =	sld [smem:$0x3FFE];
	_ =	sdelay $0x1  }
0x8a: {  	s1 =	srdreg.scid  }
0x8b: {  	s0 =	sand.u32 $0x1, s1  }
0x8c: {  	s17 =	sshll.u32 s0, $0xA;
	s2 =	sadd.s32 s3, s2  }
0x8d: {  	s2 =	sadd.s32 s2, s17  }
0x8e: {  	[smem:$0x3FBF] =	sst s2  }
0x8f: {  	_ = 	snop  }
0x90: {  	s2 =	sld [smem:$0x3FC9]  }
0x91: {  	s18 =	sld [smem:$0x3FD0];
	(tm) =	ssettm $0x1  }
0x92: {  	s4 =	sld [smem:$0x3FFB];
	_ =	sdelay $0x3  }
0x93: {  	_ =	strace s4  }
0x94: {  	s4 =	sld [smem:$0x3FFC];
	_ =	sdelay $0x3  }
0x95: {  	_ =	strace s4  }
0x96: {  	s4 =	sld [smem:$0x3FFD];
	_ =	sdelay $0x3  }
0x97: {  	_ =	strace s4  }
0x98: {  	_ =	strace $0x8FFFFFFF  }
0x99: {  	s19 =	sld [smem:$0x3FDB];
	_ =	sdelay $0x1  }
0x9a: {  	s5 =	simm.s32 $_scs_section_size  }
0x9b: {  	s6 =	simm.s32 $_size__tile_overlayer_lowered;
	s7 =	simm.s32 $_tile_overlayer_lowered  }
0x9c: {  	s22 =	simm.s32 $0x1BFF;
	s21 =	sshll.u32 s7, $0x1;
	s4 =	sadd.s32 s5, s19  }
0x9d: {  	s8 =	simm.s32 $0x0;
	s20 =	sshll.u32 s6, $0x1;
	s6 =	sadd.s32 s21, s4  }
0x9e: {  	[timem:s8], [sflag:s22] =	dma.local [hbm:s6], s20  }
0x9f: {  	_ =	swait.ge [sflag:s22], s20  }
0xa0: {  	s5 =	ssub.s32 $0x0, s20;
	[sflag:s22] =	ssyncset.done $0x0  }
0xa1: {  	[sflag:s22] =	ssyncadd.s32 s5;
	_ =	sdelay $0x1  }
0xa2: {  	s23 =	simm.s32 $0x1B8B  }
0xa3: {  	_ =	swait.ge [sflag:s23], $0x1  }
0xa4: {  	[sflag:s23] =	ssyncset.done $0x0  }
0xa5: {  	s25 =	simm.s32 $0x1B8E;
	s24 =	sld [smem:$0x3FFE];
	[sflag:s23] =	ssyncadd.s32 $0xFFFFFFFF  }
0xa6: {  	s26 =	simm.s32 $execute0_lowered;
	[smem:$0x3FD2] =	sst s25  }
0xa7: {  	s6 =	sshll.u32 s26, $0x1;
	_ =	strace $0x80000046;
	[dreg:$0x1] =	wrdreg $0xFFFFFFFF  }
0xa8: {  	s28 =	simm.s32 $_size_execute0_lowered;
	s4 =	sadd.s32 s4, s6;
	[dreg:$0x0] =	wrdreg $0x0  }
0xa9: {  	s6 =	sshll.u32 s28, $0x1;
	[dreg:$0x2] =	wrdreg s4  }
0xaa: {  	[dreg:$0x3] =	wrdreg s6  }
0xab: {  	[dreg:$0x4] =	wrdreg $0xC0  }
0xac: {  	_ =	task [dreg:s8], $0x5FFFF  }
0xad: {  	[dreg:$0x1] =	wrdreg $0xFFFFFFFF  }
0xae: {  	[dreg:$0x0] =	wrdreg $0x60  }
0xaf: {  	[dreg:$0x2] =	wrdreg s24  }
0xb0: {  	[dreg:$0x3] =	wrdreg s2  }
0xb1: {  	[dreg:$0x4] =	wrdreg s18  }
0xb2: {  	[dreg:$0x5] =	wrdreg $0x9  }
0xb3: {  	_ =	task.clear_ibuf [dreg:s8], $0x6FFFF;
	_ =	strace $0x90000046  }
0xb4: {  	s29 =	simm.s32 $0x9;
	_ =	strace $0x80000048  }
0xb5: {  	_ =	swait.ge [sflag:s29], $0x1  }
0xb6: {  	[sflag:s29] =	ssyncadd.s32 $0xFFFFFFFF  }
0xb7: {  	_ =	strace $0x90000048  }
0xb8: {  	_ =	sfence  }
0xb9: {  	s30 =	sld [smem:$0x0];
	_ =	sdelay $0x2  }
0xba: {  	s31 =	sshll.u32 s1, $0xD;
	s1 =	sshrl.u32 s1, $0x2  }
0xbb: {  	s3 =	sand.u32 $0x4000, s31;
	s1 =	sadd.s32 s1, s30  }
0xbc: {  	s0 =	sor.u32 s3, s0;
	s1 =	sshll.u32 s1, $0x11  }
0xbd: {  	s0 =	sor.u32 s1, s0  }
0xbe: {  	s0 =	sadd.s32 $0x8F2B, s0  }
0xbf: {  	[sflag:s0] =	ssyncadd.remote.s32 $0x1  }
0xc0: {  	_ =	sfence.sel $0xFFFF  }
0xc1: {  	[dreg:$0x0] =	wrdreg $0xFFFFFFFF;
	(pc) =	sbr.abs _section_cstart, $3  }
0xc2: {  	[dreg:$0x1] =	wrdreg $0xFFFFFFFF  }
0xc3: {  	_ =	task.clear_ibuf [dreg:s8], $0x2FFFF;
	_ =	strace $0x9FFFFFFF  }
0xc4: {  	(tm) =	ssettm $0x7FFFFFFF  }
0xc5: {  	_ =	shalt  }
tec
execute0_lowered:
.L_overlay_start_1:
0x0: {  	(tag) =	ssettag $0x1  }
0x1: {  	s7 =	rddreg [dreg:$0x0];
	s0 =	stileid.u32  }
0x2: {  	s3 =	rddreg [dreg:$0x1];
	s1 =	srdreg.scid;
	s2 =	sshll.u32 s0, $0x1  }
0x3: {  	s11 =	rddreg [dreg:$0x2];
	s14 =	sand.u32 $0x1, s1;
	s2 =	sand.u32 $0xE, s2  }
0x4: {  	s1 =	rddreg [dreg:$0x3];
	s8 =	sshrl.u32 s0, $0x3;
	s9 =	sor.u32 s14, s2  }
0x5: {  	s4 =	sshll.u32 s8, $0xA;
	s2 =	simm.s32 $0x0;
	s5 =	sshll.u32 s9, $0x5  }
0x6: {  	[smem:$0x7FF] =	sst s2;
	s4 =	sor.u32 s4, s5  }
0x7: {  	_ =	strace $0x80000047;
	s4 =	sadd.s32 s3, s4;
	s3 =	simm.s32 $0x3  }
0x8: {  	[tilespmem:s2], [sflag:$0x3] =	stream.linear.gather [hbm4b:s4+s2], $0x100, $0x38;
	[tilespmem:$0x8200] =	vst v63  }
0x9: {  	_ =	swait.ge [sflag:s3], $0x100  }
0xa: {  	[sflag:s3] =	ssyncset.done $0x0  }
0xb: {  	s6 =	simm.s32 $0x100;
	s5 =	sadd.s32 $0x200, s4;
	[sflag:s3] =	ssyncadd.s32 $0xFFFFFF00  }
0xc: {  	[tilespmem:s6], [sflag:$0x3] =	stream.linear.gather [hbm4b:s5+s2], $0x100, $0x38;
	[tilespmem:$0x8200] =	vst v63  }
0xd: {  	_ =	swait.ge [sflag:s3], $0x100  }
0xe: {  	s7 =	sadd.s32 $0x1400, s7;
	[sflag:s3] =	ssyncset.done $0x0  }
0xf: {  	s12 =	sshll.u32 s8, $0x10;
	s8 =	simm.s32 $0x200;
	[sflag:s3] =	ssyncadd.s32 $0xFFFFFF00  }
0x10: {  	[tilespmem:s8], [sflag:$0x1] =	stream.indirect.gather [hbm4b:s7+s6], $0x40, s2, s6, $0xb8;
	[tilespmem:$0x8200] =	vst v63  }
0x11: {  	s10 =	simm.s32 $0x1;
	s13 =	sshll.u32 s9, $0xC;
	s9 =	simm.s32 $0x4200  }
0x12: {  	[tilespmem:s9], [sflag:$0x2] =	stream.indirect.gather [hbm4b:s7+s6], $0x40, s6, s6, $0xb8;
	[tilespmem:$0x8200] =	vst v63  }
0x13: {  	s15 =	ssub.s32 $0x2, s14;
	_ =	swait.ge [sflag:s10], $0x4000  }
0x14: {  	s12 =	sor.u32 s12, s13;
	s13 =	simm.s32 $0x80;
	[sflag:s10] =	ssyncset.done $0x0  }
0x15: {  	s11 =	sadd.s32 s11, s12;
	s12 =	simm.s32 $0x40;
	[sflag:s10] =	ssyncadd.s32 $0xFFFFC000  }
0x16: {  	[hbm4b:s11+s12] =	stream.strided.scatter [tilespmem:s8], [sflag:$0x3], $0x4000, s13, s12, $0x38;
	[tilespmem:$0x8200] =	vst v63  }
0x17: {  	s16 =	sshrl.u32 s15, $0x1;
	_ =	swait.ge [sflag:s3], $0x4000  }
0x18: {  	s16 =	ssub.s32 s15, s16;
	[sflag:s3] =	ssyncset.done $0x0  }
0x19: {  	s14 =	simm.s32 $0x2;
	s16 =	smax.u32 s16, $0x1;
	[sflag:s3] =	ssyncadd.s32 $0xFFFFC000  }
0x1a: {  	p0 =	sne.s32 s16, $0x1;
	_ =	swait.ge [sflag:s14], $0x4000  }
.Ltmp0:
0x1b: {  	[sflag:s14] =	ssyncset.done $0x0;
	(pc) =	sbr.rel @!p0 .LBB2_2-.Ltmp0, $4  }
0x1c: {  	s15 =	sadd.s32 $0x8, s11;
	[sflag:s14] =	ssyncadd.s32 $0xFFFFC000  }
0x1d: {  	[hbm4b:s15+s12] =	stream.strided.scatter [tilespmem:s9], [sflag:$0x3], $0x4000, s13, s12, $0x38;
	[tilespmem:$0x8200] =	vst v63  }
0x1e: {  	_ =	swait.ge [sflag:s3], $0x4000  }
0x1f: {  	s16 =	sadd.s32 $0xFFFFFFFF, s16;
	[sflag:s3] =	ssyncset.done $0x0  }
.LBB2_1:
0x20: {  	p0 =	sne.s32 s16, $0x1;
	s16 =	sadd.s32 $0xFFFFFFFF, s16;
	[sflag:s3] =	ssyncadd.s32 $0xFFFFC000  }
0x21: {  	[tilespmem:s2], [sflag:$0x3] =	stream.linear.gather [hbm4b:s4+s2], $0x100, $0x38;
	[tilespmem:$0x8200] =	vst v63  }
0x22: {  	_ =	swait.ge [sflag:s3], $0x100  }
0x23: {  	[sflag:s3] =	ssyncset.done $0x0  }
0x24: {  	[sflag:s3] =	ssyncadd.s32 $0xFFFFFF00  }
0x25: {  	[tilespmem:s6], [sflag:$0x3] =	stream.linear.gather [hbm4b:s5+s2], $0x100, $0x38;
	[tilespmem:$0x8200] =	vst v63  }
0x26: {  	_ =	swait.ge [sflag:s3], $0x100  }
0x27: {  	[sflag:s3] =	ssyncset.done $0x0  }
0x28: {  	[sflag:s3] =	ssyncadd.s32 $0xFFFFFF00  }
0x29: {  	[tilespmem:s8], [sflag:$0x1] =	stream.indirect.gather [hbm4b:s7+s6], $0x40, s2, s6, $0xb8;
	[tilespmem:$0x8200] =	vst v63  }
0x2a: {  	_ = 	snop  }
0x2b: {  	[tilespmem:s9], [sflag:$0x2] =	stream.indirect.gather [hbm4b:s7+s6], $0x40, s6, s6, $0xb8;
	[tilespmem:$0x8200] =	vst v63  }
0x2c: {  	_ =	swait.ge [sflag:s10], $0x4000  }
0x2d: {  	[sflag:s10] =	ssyncset.done $0x0  }
0x2e: {  	[sflag:s10] =	ssyncadd.s32 $0xFFFFC000  }
0x2f: {  	[hbm4b:s11+s12] =	stream.strided.scatter [tilespmem:s8], [sflag:$0x3], $0x4000, s13, s12, $0x38;
	[tilespmem:$0x8200] =	vst v63  }
0x30: {  	_ =	swait.ge [sflag:s3], $0x4000  }
0x31: {  	[sflag:s3] =	ssyncset.done $0x0  }
0x32: {  	[sflag:s3] =	ssyncadd.s32 $0xFFFFC000  }
0x33: {  	_ =	swait.ge [sflag:s14], $0x4000  }
.Ltmp1:
0x34: {  	[sflag:s14] =	ssyncset.done $0x0;
	(pc) =	sbr.rel @p0 .LBB2_1-.Ltmp1, $4  }
0x35: {  	[sflag:s14] =	ssyncadd.s32 $0xFFFFC000  }
0x36: {  	[hbm4b:s15+s12] =	stream.strided.scatter [tilespmem:s9], [sflag:$0x3], $0x4000, s13, s12, $0x38;
	[tilespmem:$0x8200] =	vst v63  }
0x37: {  	_ =	swait.ge [sflag:s3], $0x4000  }
0x38: {  	[sflag:s3] =	ssyncset.done $0x0  }
.LBB2_2:
0x39: {  	[sflag:s3] =	ssyncadd.s32 $0xFFFFC000  }
0x3a: {  	_ =	sfence.sel $0x180000  }
0x3b: {  	[bflag:$0x0] =	sbarrier.arrive $0xFFFF  }
0x3c: {  	p0 =	sne.s32 s0, $0x0;
	_ =	strace $0x90000047  }
0x3d: {  	s0 =	sadd.s32 @!p0 $0x100000, s1;
	[bflag:$0x2] =	sbarrier.arrive $0xFFFF  }
0x3e: {  	[sflag:s0] =	ssyncadd.tile.s32 @!p0 $0x1;
	_ =	shalt  }
.Lfunc_end2:
_tile_overlayer_lowered:
.L_overlay_start_2:
0x3f: {  	(tag) =	ssettag $0x2  }
0x40: {  	s0 =	rddreg [dreg:$0x0];
	s2 =	stileid.u32  }
0x41: {  	s1 =	rddreg [dreg:$0x1];
	p0 =	sne.s32 s2, $0x0  }
0x42: {  	s3 =	rddreg [dreg:$0x2];
	[bflag:$0x3] =	sbarrier.arrive $0xFFFF;
	s2 =	simm.s32 @!p0 $0x1C03  }
0x43: {  	[timem:s3], [sflag:s2] =	dma.local @!p0 [hbm:s0], s1  }
0x44: {  	s0 =	simm.s32 @!p0 $0x3  }
0x45: {  	_ =	swait.ge @!p0 [sflag:s0], s1  }
0x46: {  	s1 =	ssub.s32 @!p0 $0x0, s1;
	[sflag:s0] =	ssyncset.done @!p0 $0x0  }
0x47: {  	[sflag:s0] =	ssyncadd.s32 @!p0 s1  }
0x48: {  	[bflag:$0x3] =	sbarrier.arrive $0xFFFF  }
0x49: {  	_ =	shalt  }

</sc_bundles>
